<compile_context>
chip_gen: v7x
topology: tpu7x:2x2x1
jax: 0.10.2.dev20260603
libtpu: 0.0.44.dev20260713+nightly
codegen_flags: <defaults>
</compile_context>

<pallas_src>
import functools

import jax
import jax.numpy as jnp
from jax import lax
from jax.experimental import pallas as pl
from jax.experimental.pallas import tpu as pltpu
from jax.experimental.pallas import tpu_sc as plsc

NUM_NODES = 100000
FEAT_DIM = 128
LANES = 16

RB = 20480
NBK = 5


def _sc_gather_body(node_hbm, ctxt_hbm, out_hbm, node_s, sem):
    c = lax.axis_index("c")

    @pl.when(c == 0)
    def _():
        pltpu.sync_copy(node_hbm, node_s)
        n = node_s[0]
        pltpu.async_copy(ctxt_hbm.at[pl.ds(n, 1), :], out_hbm, sem).wait()


@functools.cache
def _build_sc_gather():
    return functools.partial(
        pl.kernel,
        mesh=plsc.ScalarSubcoreMesh(axis_name="c", num_cores=2),
        out_type=jax.ShapeDtypeStruct((1, FEAT_DIM), jnp.float32),
        scratch_types=[
            pltpu.SMEM((LANES,), jnp.int32),
            pltpu.SemaphoreType.DMA,
        ],
    )(_sc_gather_body)


def _fused_body(z1_ref, z_ref, out_ref, z2s, acc):
    i = pl.program_id(0)

    @pl.when(i < NBK)
    def _():
        s_row = lax.dot_general(
            z1_ref[...], z_ref[...], (((1,), (1,)), ((), ())),
            preferred_element_type=jnp.float32,
        )
        gidx = lax.broadcasted_iota(jnp.int32, (1, RB), 1) + i * RB
        s_row = jnp.where(gidx < NUM_NODES, s_row, -jnp.inf)
        z2s[pl.ds(i, 1), :] = s_row
        bm = jnp.max(s_row)
        m_prev = jnp.where(i == 0, -jnp.inf, acc[0])
        s_prev = jnp.where(i == 0, 0.0, acc[1])
        m_new = jnp.maximum(m_prev, bm)
        s_new = s_prev * jnp.exp(m_prev - m_new) + jnp.sum(jnp.exp(s_row - m_new))
        acc[0] = m_new
        acc[1] = s_new

    @pl.when(i == NBK)
    def _():
        lse = acc[0] + jnp.log(acc[1])
        flat = jnp.concatenate([z2s[pl.ds(j, 1), :] for j in range(NBK)], axis=1)
        out_ref[...] = (flat[:, :NUM_NODES] - lse).reshape(NUM_NODES)


def _fused(z1, z):
    return pl.pallas_call(
        _fused_body,
        grid=(NBK + 1,),
        in_specs=[
            pl.BlockSpec((1, FEAT_DIM), lambda i: (0, 0)),
            pl.BlockSpec((RB, FEAT_DIM), lambda i: (jnp.minimum(i, NBK - 1), 0)),
        ],
        out_specs=pl.BlockSpec((NUM_NODES,), lambda i: (0,)),
        out_shape=jax.ShapeDtypeStruct((NUM_NODES,), jnp.float32),
        scratch_shapes=[
            pltpu.VMEM((NBK, RB), jnp.float32),
            pltpu.SMEM((2,), jnp.float32),
        ],
    )(z1, z)


def kernel(node, z, context_embds):
    node16 = jnp.full((LANES,), node, jnp.int32)
    ctxt = context_embds.T
    z1 = _build_sc_gather()(node16, ctxt)
    return _fused(z1, z)

# --- scband reference (transcript-rebuilt; emitter-appended) ---
"""Pipeline reference for scband-skip-gram-62989990363607 (READ-ONLY COPY).

The authoritative reference and input builder live on the scoring server;
editing this copy changes nothing except your own understanding.
"""

import jax, jax.numpy as jnp
import numpy as np

NUM_NODES = 100000
FEAT_DIM = 128

def setup_inputs(seed: int = 0) -> dict:
    key = jax.random.key(seed)
    k1, k2 = jax.random.split(key)
    z = jax.random.normal(k1, (NUM_NODES, FEAT_DIM), dtype=jnp.float32)
    # xavier_uniform init for context_embds [input_feat_dim, num_nodes]
    limit = float(np.sqrt(6.0 / (FEAT_DIM + NUM_NODES)))
    context_embds = jax.random.uniform(k2, (FEAT_DIM, NUM_NODES), dtype=jnp.float32, minval=-limit, maxval=limit)
    node = 12345
    return {"node": node, "z": z, "context_embds": context_embds}

def reference(node, z, context_embds):
    num_nodes = context_embds.shape[1]
    # get_input_layer: one-hot vector of length num_nodes
    x = jnp.zeros((num_nodes,), dtype=jnp.float32).at[node].set(1.0)
    # z1 = context_embds @ one_hot  (== column gather of context_embds)
    z1 = jnp.matmul(context_embds, x)
    # z2 = z @ z1
    z2 = jnp.matmul(z, z1)
    log_softmax = jax.nn.log_softmax(z2, axis=0)
    return log_softmax

if __name__ == "__main__":
    import jax
    _d = setup_inputs()
    print(jax.jit(kernel)(*tuple(_d.values())))

</pallas_src>

<mosaic_0001>
#map = affine_map<(d0) -> (0)>
#map1 = affine_map<(d0) -> (0, 0)>
module attributes {stable_mosaic.version = 14 : i64} {
  func.func @_sc_gather_body(%arg0: i32, %arg1: memref<16xi32, #tpu.memory_space<hbm>>, %arg2: memref<100000x128xf32, #tpu.memory_space<hbm>>, %arg3: memref<1x128xf32, #tpu.memory_space<hbm>>, %arg4: memref<16xi32, #tpu.memory_space<smem>>, %arg5: memref<!tpu.dma_semaphore, #tpu.memory_space<semaphore_mem>>) attributes {dimension_semantics = [#tpu.dimension_semantics<core_parallel>], iteration_bounds = array<i64: 2>, scalar_prefetch = 0 : i64, scratch_operands = 2 : i64, tpu.core_type = #tpu.core_type<sc_scalar_subcore>, window_params = [{transform_indices = #map}, {transform_indices = #map1}, {transform_indices = #map1}]} {
    %eq3A = arith.constant 0 : i32
    %eq3A_0 = arith.cmpi eq, %arg0, %eq3A : i32
    %convert_element_type3A = arith.extui %eq3A_0 : i1 to i32
    %cond3A = arith.constant 0 : i32
    %cond3A_1 = arith.cmpi ne, %convert_element_type3A, %cond3A : i32
    scf.if %cond3A_1 {
      "tpu.region"() ({
        %run_scoped3A = tpu.sem_alloc : memref<!tpu.dma_semaphore, #tpu.memory_space<semaphore_mem>>
        tpu.enqueue_dma source(%arg1 : memref<16xi32, #tpu.memory_space<hbm>>) target(%arg4 : memref<16xi32, #tpu.memory_space<smem>>) target_semaphore(%run_scoped3A : memref<!tpu.dma_semaphore, #tpu.memory_space<semaphore_mem>>)
        tpu.wait_dma2 semaphore(%run_scoped3A : memref<!tpu.dma_semaphore, #tpu.memory_space<semaphore_mem>>) src(%arg1 : memref<16xi32, #tpu.memory_space<hbm>>) dst(%arg4 : memref<16xi32, #tpu.memory_space<smem>>)
        tpu.yield
      }) : () -> ()
      %get3A = arith.constant 0 : i32
      %get3A_2 = arith.index_cast %get3A : i32 to index
      %get3A_3 = memref.load %arg4[%get3A_2] : memref<16xi32, #tpu.memory_space<smem>>
      %dma_start3A = arith.constant 0 : i32
      %dma_start3A_4 = tpu.memref_slice %arg2[%get3A_3, %dma_start3A] : memref<100000x128xf32, #tpu.memory_space<hbm>> -> memref<1x128xf32, #tpu.memory_space<hbm>>
      tpu.enqueue_dma source(%dma_start3A_4 : memref<1x128xf32, #tpu.memory_space<hbm>>) target(%arg3 : memref<1x128xf32, #tpu.memory_space<hbm>>) target_semaphore(%arg5 : memref<!tpu.dma_semaphore, #tpu.memory_space<semaphore_mem>>)
      %dma_wait3A = arith.constant 0 : i32
      %dma_wait3A_5 = tpu.memref_slice %arg2[%get3A_3, %dma_wait3A] : memref<100000x128xf32, #tpu.memory_space<hbm>> -> memref<1x128xf32, #tpu.memory_space<hbm>>
      tpu.wait_dma2 semaphore(%arg5 : memref<!tpu.dma_semaphore, #tpu.memory_space<semaphore_mem>>) src(%dma_wait3A_5 : memref<1x128xf32, #tpu.memory_space<hbm>>) dst(%arg3 : memref<1x128xf32, #tpu.memory_space<hbm>>)
    } else {
    }
    return
  }
}

module attributes {stable_mosaic.version = 14 : i64} {
  func.func @_fused_body(%arg0: i32, %arg1: memref<1x128xf32, #tpu.memory_space<vmem>>, %arg2: memref<20480x128xf32, #tpu.memory_space<vmem>>, %arg3: memref<100000xf32, #tpu.memory_space<vmem>>, %arg4: memref<5x20480xf32, #tpu.memory_space<vmem>>, %arg5: memref<2xf32, #tpu.memory_space<smem>>) attributes {dimension_semantics = [#tpu.dimension_semantics<arbitrary>], iteration_bounds = array<i64: 6>, scalar_prefetch = 0 : i64, scratch_operands = 2 : i64, tpu.core_type = #tpu.core_type<tc>, window_params = [{pipeline_mode = #tpu.pipeline_mode<synchronous>, transform_indices = @transform_0, window_bounds = array<i64: 1, 128>}, {transform_indices = @transform_1, window_bounds = array<i64: 20480, 128>}, {pipeline_mode = #tpu.pipeline_mode<synchronous>, transform_indices = @transform_2, window_bounds = array<i64: 100000>}]} {
    %lt3A = arith.constant 5 : i32
    %lt3A_0 = arith.cmpi slt, %arg0, %lt3A : i32
    %convert_element_type3A = arith.extui %lt3A_0 : i1 to i32
    %cond3A = arith.constant 0 : i32
    %cond3A_1 = arith.cmpi ne, %convert_element_type3A, %cond3A : i32
    scf.if %cond3A_1 {
      %get3A = arith.constant 0 : index
      %get3A_6 = arith.constant 0 : index
      %get3A_7 = vector.load %arg1[%get3A, %get3A_6] : memref<1x128xf32, #tpu.memory_space<vmem>>, vector<1x128xf32>
      %get3A_8 = arith.constant 0 : index
      %get3A_9 = arith.constant 0 : index
      %get3A_10 = vector.load %arg2[%get3A_8, %get3A_9] : memref<20480x128xf32, #tpu.memory_space<vmem>>, vector<20480x128xf32>
      %dot_general3A = arith.constant dense<0.000000e+00> : vector<1x20480xf32>
      %dot_general3A_11 = tpu.matmul %get3A_7, %get3A_10, %dot_general3A {dimension_numbers = #tpu.dot_dimension_numbers<[1], [1], [0], [0], [0, 0, 1, 0], [], []>, transpose_lhs_hint = false} : vector<1x128xf32>, vector<20480x128xf32>, vector<1x20480xf32> -> vector<1x20480xf32>
      %iota3A = tpu.iota {dimensions = array<i32: 1>} : vector<1x20480xi32>
      %mul3A = arith.constant 20480 : i32
      %mul3A_12 = arith.muli %arg0, %mul3A : i32
      %add3A = vector.broadcast %mul3A_12 : i32 to vector<1x20480xi32>
      %add3A_13 = arith.addi %iota3A, %add3A : vector<1x20480xi32>
      %lt3A_14 = arith.constant 100000 : i32
      %lt3A_15 = vector.broadcast %lt3A_14 : i32 to vector<1x20480xi32>
      %lt3A_16 = arith.cmpi slt, %add3A_13, %lt3A_15 : vector<1x20480xi32>
      %jit3A = arith.constant 0xFF800000 : f32
      %broadcast_in_dim3A = vector.broadcast %jit3A : f32 to vector<1x20480xf32>
      %select_n3A = arith.select %lt3A_16, %dot_general3A_11, %broadcast_in_dim3A : vector<1x20480xi1>, vector<1x20480xf32>
      %swap3A = arith.index_cast %arg0 : i32 to index
      %swap3A_17 = arith.constant 0 : index
      %swap3A_18 = vector.load %arg4[%swap3A, %swap3A_17] : memref<5x20480xf32, #tpu.memory_space<vmem>>, vector<1x20480xf32>
      tpu.vector_store %arg4[%swap3A, %swap3A_17], %select_n3A {strides = array<i32>} : memref<5x20480xf32, #tpu.memory_space<vmem>>, vector<1x20480xf32>,
      %reduce_max3A = vector.shape_cast %select_n3A : vector<1x20480xf32> to vector<1x1x20480xf32>
      %reduce_max3A_19 = arith.constant dense<0xFF800000> : vector<1xf32>
      %reduce_max3A_20 = vector.multi_reduction <maximumf>, %reduce_max3A, %reduce_max3A_19 [1, 2] : vector<1x1x20480xf32> to vector<1xf32>
      %reduce_max3A_21 = vector.shape_cast %reduce_max3A_20 : vector<1xf32> to vector<1x1x1xf32>
      %reduce_max3A_22 = vector.extract %reduce_max3A_21[0, 0, 0] : f32 from vector<1x1x1xf32>
      %eq3A_23 = arith.constant 0 : i32
      %eq3A_24 = arith.cmpi eq, %arg0, %eq3A_23 : i32
      %get3A_25 = arith.constant 0 : index
      %get3A_26 = memref.load %arg5[%get3A_25] : memref<2xf32, #tpu.memory_space<smem>>
      %jit3A_27 = arith.constant 0xFF800000 : f32
      %select_n3A_28 = arith.select %eq3A_24, %jit3A_27, %get3A_26 : f32
      %eq3A_29 = arith.constant 0 : i32
      %eq3A_30 = arith.cmpi eq, %arg0, %eq3A_29 : i32
      %get3A_31 = arith.constant 1 : index
      %get3A_32 = memref.load %arg5[%get3A_31] : memref<2xf32, #tpu.memory_space<smem>>
      %jit3A_33 = arith.constant 0.000000e+00 : f32
      %select_n3A_34 = arith.select %eq3A_30, %jit3A_33, %get3A_32 : f32
      %max3A = arith.maximumf %select_n3A_28, %reduce_max3A_22 : f32
      %sub3A = arith.subf %select_n3A_28, %max3A : f32
      %exp3A = math.exp %sub3A : f32
      %mul3A_35 = arith.mulf %select_n3A_34, %exp3A : f32
      %sub3A_36 = vector.broadcast %max3A : f32 to vector<1x20480xf32>
      %sub3A_37 = arith.subf %select_n3A, %sub3A_36 : vector<1x20480xf32>
      %exp3A_38 = math.exp %sub3A_37 : vector<1x20480xf32>
      %reduce_sum3A = vector.shape_cast %exp3A_38 : vector<1x20480xf32> to vector<1x1x20480xf32>
      %reduce_sum3A_39 = arith.constant dense<0.000000e+00> : vector<1xf32>
      %reduce_sum3A_40 = vector.multi_reduction <add>, %reduce_sum3A, %reduce_sum3A_39 [1, 2] : vector<1x1x20480xf32> to vector<1xf32>
      %reduce_sum3A_41 = vector.shape_cast %reduce_sum3A_40 : vector<1xf32> to vector<1x1x1xf32>
      %reduce_sum3A_42 = vector.extract %reduce_sum3A_41[0, 0, 0] : f32 from vector<1x1x1xf32>
      %add3A_43 = arith.addf %mul3A_35, %reduce_sum3A_42 : f32
      %swap3A_44 = arith.constant 0 : index
      %swap3A_45 = memref.load %arg5[%swap3A_44] : memref<2xf32, #tpu.memory_space<smem>>
      memref.store %max3A, %arg5[%swap3A_44] : memref<2xf32, #tpu.memory_space<smem>>
      %swap3A_46 = arith.constant 1 : index
      %swap3A_47 = memref.load %arg5[%swap3A_46] : memref<2xf32, #tpu.memory_space<smem>>
      memref.store %add3A_43, %arg5[%swap3A_46] : memref<2xf32, #tpu.memory_space<smem>>
    } else {
    }
    %eq3A = arith.constant 5 : i32
    %eq3A_2 = arith.cmpi eq, %arg0, %eq3A : i32
    %convert_element_type3A_3 = arith.extui %eq3A_2 : i1 to i32
    %cond3A_4 = arith.constant 0 : i32
    %cond3A_5 = arith.cmpi ne, %convert_element_type3A_3, %cond3A_4 : i32
    scf.if %cond3A_5 {
      %get3A = arith.constant 0 : index
      %get3A_6 = memref.load %arg5[%get3A] : memref<2xf32, #tpu.memory_space<smem>>
      %get3A_7 = arith.constant 1 : index
      %get3A_8 = memref.load %arg5[%get3A_7] : memref<2xf32, #tpu.memory_space<smem>>
      %log3A = math.log %get3A_8 : f32
      %add3A = arith.addf %get3A_6, %log3A : f32
      %get3A_9 = arith.constant 0 : index
      %get3A_10 = arith.constant 0 : index
      %get3A_11 = vector.load %arg4[%get3A_9, %get3A_10] : memref<5x20480xf32, #tpu.memory_space<vmem>>, vector<1x20480xf32>
      %get3A_12 = arith.constant 1 : index
      %get3A_13 = arith.constant 0 : index
      %get3A_14 = vector.load %arg4[%get3A_12, %get3A_13] : memref<5x20480xf32, #tpu.memory_space<vmem>>, vector<1x20480xf32>
      %get3A_15 = arith.constant 2 : index
      %get3A_16 = arith.constant 0 : index
      %get3A_17 = vector.load %arg4[%get3A_15, %get3A_16] : memref<5x20480xf32, #tpu.memory_space<vmem>>, vector<1x20480xf32>
      %get3A_18 = arith.constant 3 : index
      %get3A_19 = arith.constant 0 : index
      %get3A_20 = vector.load %arg4[%get3A_18, %get3A_19] : memref<5x20480xf32, #tpu.memory_space<vmem>>, vector<1x20480xf32>
      %get3A_21 = arith.constant 4 : index
      %get3A_22 = arith.constant 0 : index
      %get3A_23 = vector.load %arg4[%get3A_21, %get3A_22] : memref<5x20480xf32, #tpu.memory_space<vmem>>, vector<1x20480xf32>
      %concatenate3A = tpu.concatenate %get3A_11, %get3A_14, %get3A_17, %get3A_20, %get3A_23 in 1 : vector<1x20480xf32>, vector<1x20480xf32>, vector<1x20480xf32>, vector<1x20480xf32>, vector<1x20480xf32> -> vector<1x102400xf32>
      %slice3A = vector.extract_strided_slice %concatenate3A {offsets = [0, 0], sizes = [1, 100000], strides = [1, 1]} : vector<1x102400xf32> to vector<1x100000xf32>
      %sub3A = vector.broadcast %add3A : f32 to vector<1x100000xf32>
      %sub3A_24 = arith.subf %slice3A, %sub3A : vector<1x100000xf32>
      %reshape3A = vector.shape_cast %sub3A_24 : vector<1x100000xf32> to vector<100000xf32>
      %swap3A = arith.constant 0 : index
      %swap3A_25 = vector.load %arg3[%swap3A] : memref<100000xf32, #tpu.memory_space<vmem>>, vector<100000xf32>
      tpu.vector_store %arg3[%swap3A], %reshape3A {strides = array<i32>} : memref<100000xf32, #tpu.memory_space<vmem>>, vector<100000xf32>,
    } else {
    }
    return
  }
  func.func @transform_0(%arg0: i32) -> (i32, i32) {
    %c0_i32 = arith.constant 0 : i32
    %c0_i32_0 = arith.constant 0 : i32
    %c0_i32_1 = arith.constant 0 : i32
    return %c0_i32, %c0_i32_0 : i32, i32
  }
  func.func @transform_1(%arg0: i32) -> (i32, i32) {
    %min3A = arith.constant 4 : i32
    %min3A_0 = arith.minsi %arg0, %min3A : i32
    %c0_i32 = arith.constant 0 : i32
    %c0_i32_1 = arith.constant 0 : i32
    return %min3A_0, %c0_i32 : i32, i32
  }
  func.func @transform_2(%arg0: i32) -> i32 {
    %c0_i32 = arith.constant 0 : i32
    %c0_i32_0 = arith.constant 0 : i32
    return %c0_i32 : i32
  }
}

</mosaic_0001>

<sc_bundles>
// kernel: kernel.4.cloned.1.call-start
scs
__scs_entry_jumppad:
0x0: {  	(pc) =	sbr.rel $0x88, $3  }
0x1: {  	(tag) =	ssettag $0x0;
	lr =	simm.s32 $0x1  }
0x2: {  	[smem:$0x3F9E] =	sst lr;
	_ =	strace $0xD0000000  }
0x3: {  	_ = 	snop  }
0x4: {  	_ = 	snop  }
0x5: {  	_ = 	snop  }
0x6: {  	_ = 	snop  }
0x7: {  	_ = 	snop  }
__scs_overlays_trampoline_lowered:
0x8: {  	[smem:$0x3FAD] =	sst s0  }
0x9: {  	[smem:$0x3FAE] =	sst s1  }
0xa: {  	[smem:$0x3FAF] =	sst s2  }
0xb: {  	[smem:$0x3FB0] =	sst s3  }
0xc: {  	[smem:$0x3FB1] =	sst s4  }
0xd: {  	[smem:$0x3FB2] =	sst s5  }
0xe: {  	[smem:$0x3FB3] =	sst s6  }
0xf: {  	[smem:$0x3FB4] =	sst s7  }
0x10: {  	[smem:$0x3FB5] =	sst s8  }
0x11: {  	[smem:$0x3FB6] =	sst s9;
	s0 =	simm.s32 @!p0 $0x0  }
0x12: {  	s1 =	sld [smem:$0x3F9C];
	s0 =	simm.s32 @p0 $0x1  }
0x13: {  	[smem:$0x3FB7] =	sst s0;
	s0 =	simm.s32 @!p1 $0x0  }
0x14: {  	s2 =	sld [smem:$0x3F9B];
	s0 =	simm.s32 @p1 $0x1  }
0x15: {  	[smem:$0x3FB8] =	sst s0;
	s0 =	simm.s32 @!p2 $0x0  }
0x16: {  	s3 =	sld [smem:$0x3FDB];
	s0 =	simm.s32 @p2 $0x1  }
0x17: {  	s4 =	simm.s32 $0x1BF5;
	[smem:$0x3FBA] =	sst s0  }
0x18: {  	s0 =	sld [smem:$0x3F9D];
	_ =	swait.ge [sflag:s4], $0x0  }
0x19: {  	s7 =	sld [smem:$0x3F9E]  }
0x1a: {  	s8 =	sadd.s32 $0xFFFFE003, lr  }
0x1b: {  	s9 =	sadd.s32 $0xFFFFFEF7, lr;
	s5 =	simm.s32 $0xFFFFFFFF;
	p2 =	slt.u32 s8, $0xFFFFF086  }
0x1c: {  	p1 =	slt.u32 s9, $0xF7A;
	s5 =	simm.s32 @!p2 $0x0  }
0x1d: {  	s5 =	simm.s32 @p1 $0x1;
	p0 =	seq.s32 s7, s2  }
0x1e: {  	s7 =	smul.u32 @!p0 $0xF7A, s2;
	p2 =	seq.s32 @!p0 s5, $0x0  }
0x1f: {  	s9 =	smul.u32 $0xF7A, s1;
	s8 =	simm.s32 @!p0 $0x1BF5;
	p2 =	por !p2, p0  }
0x20: {  	[sflag:s8] =	ssyncset.s32 @!p0 $0xFFFFF086;
	s6 =	sadd.s32 @!p0 s3, s7;
	s7 =	simm.s32 @!p0 $0x108  }
0x21: {  	s3 =	sadd.s32 s3, s9;
	s6 =	sadd.s32 @!p0 $0x88, s6;
	s7 =	simm.s32 @p2 $0x1082  }
0x22: {  	[simem:s7], [sflag:s8] =	dma.local @!p0 [hbm:s6], $0xF7A  }
0x23: {  	s9 =	sor.u32 $0xD0000000, s2;
	s6 =	simm.s32 $0x108;
	_ =	swait.ge @!p0 [sflag:s8], $0x0  }
0x24: {  	s3 =	sadd.s32 $0x88, s3;
	s6 =	simm.s32 @!p1 $0x1082;
	[sflag:s4] =	ssyncset.s32 $0xFFFFF086  }
0x25: {  	[simem:s6], [sflag:s4] =	dma.local [hbm:s3], $0xF7A  }
0x26: {  	[smem:$0x3F9E] =	sst s1;
	(tag) =	ssettag s2;
	_ =	strace s9  }
0x27: {  	s1 =	sld [smem:$0x3FAE]  }
0x28: {  	s2 =	sld [smem:$0x3FAF]  }
0x29: {  	s4 =	sld [smem:$0x3FB1]  }
0x2a: {  	p0 =	seq.s32 s5, $0x0;
	s5 =	sld [smem:$0x3FB2]  }
0x2b: {  	s6 =	sld [smem:$0x3FB3]  }
0x2c: {  	s7 =	sld [smem:$0x3FB4]  }
0x2d: {  	s3 =	simm.s32 $0x108;
	s8 =	sld [smem:$0x3FB5]  }
0x2e: {  	s3 =	simm.s32 @!p0 $0x1082;
	s9 =	sld [smem:$0x3FB6]  }
0x2f: {  	lr =	sadd.s32 s0, s3;
	s0 =	sld [smem:$0x3FAD]  }
0x30: {  	s3 =	sld [smem:$0x3FB0]  }
0x31: {  	[smem:$0x3FB9] =	sst s10  }
0x32: {  	s10 =	sld [smem:$0x3FB7];
	_ =	sdelay $0x3  }
0x33: {  	p0 =	seq.s32 s10, $0x1;
	s10 =	sld [smem:$0x3FB9];
	_ =	sdelay $0x3  }
0x34: {  	[smem:$0x3FB9] =	sst s10  }
0x35: {  	s10 =	sld [smem:$0x3FB8];
	_ =	sdelay $0x3  }
0x36: {  	p1 =	seq.s32 s10, $0x1;
	s10 =	sld [smem:$0x3FB9];
	_ =	sdelay $0x3  }
0x37: {  	[smem:$0x3FB9] =	sst s10  }
0x38: {  	s10 =	sld [smem:$0x3FBA]  }
0x39: {  	_ = 	snop;
	(pc) =	sbr.ind lr, $3  }
0x3a: {  	_ = 	snop  }
0x3b: {  	_ = 	snop  }
0x3c: {  	p2 =	seq.s32 s10, $0x1;
	s10 =	sld [smem:$0x3FB9]  }
0x3d: {  	_ =	shalt  }
0x3e: {  	_ =	shalt  }
0x3f: {  	_ =	shalt  }
0x40: {  	_ =	shalt  }
0x41: {  	_ =	shalt  }
0x42: {  	_ =	shalt  }
0x43: {  	_ =	shalt  }
0x44: {  	_ =	shalt  }
0x45: {  	_ =	shalt  }
0x46: {  	_ =	shalt  }
0x47: {  	_ =	shalt  }
0x48: {  	_ =	shalt  }
0x49: {  	_ =	shalt  }
0x4a: {  	_ =	shalt  }
0x4b: {  	_ =	shalt  }
0x4c: {  	_ =	shalt  }
0x4d: {  	_ =	shalt  }
0x4e: {  	_ =	shalt  }
0x4f: {  	_ =	shalt  }
0x50: {  	_ =	shalt  }
0x51: {  	_ =	shalt  }
0x52: {  	_ =	shalt  }
0x53: {  	_ =	shalt  }
0x54: {  	_ =	shalt  }
0x55: {  	_ =	shalt  }
0x56: {  	_ =	shalt  }
0x57: {  	_ =	shalt  }
0x58: {  	_ =	shalt  }
0x59: {  	_ =	shalt  }
0x5a: {  	_ =	shalt  }
0x5b: {  	_ =	shalt  }
0x5c: {  	_ =	shalt  }
0x5d: {  	_ =	shalt  }
0x5e: {  	_ =	shalt  }
0x5f: {  	_ =	shalt  }
0x60: {  	_ =	shalt  }
0x61: {  	_ =	shalt  }
0x62: {  	_ =	shalt  }
0x63: {  	_ =	shalt  }
0x64: {  	_ =	shalt  }
0x65: {  	_ =	shalt  }
0x66: {  	_ =	shalt  }
0x67: {  	_ =	shalt  }
0x68: {  	_ =	shalt  }
0x69: {  	_ =	shalt  }
0x6a: {  	_ =	shalt  }
0x6b: {  	_ =	shalt  }
0x6c: {  	_ =	shalt  }
0x6d: {  	_ =	shalt  }
0x6e: {  	_ =	shalt  }
0x6f: {  	_ =	shalt  }
0x70: {  	_ =	shalt  }
0x71: {  	_ =	shalt  }
0x72: {  	_ =	shalt  }
0x73: {  	_ =	shalt  }
0x74: {  	_ =	shalt  }
0x75: {  	_ =	shalt  }
0x76: {  	_ =	shalt  }
0x77: {  	_ =	shalt  }
0x78: {  	_ =	shalt  }
0x79: {  	_ =	shalt  }
0x7a: {  	_ =	shalt  }
0x7b: {  	_ =	shalt  }
0x7c: {  	_ =	shalt  }
0x7d: {  	_ =	shalt  }
0x7e: {  	_ =	shalt  }
0x7f: {  	_ =	shalt  }
0x80: {  	_ =	shalt  }
0x81: {  	_ =	shalt  }
0x82: {  	_ =	shalt  }
0x83: {  	_ =	shalt  }
0x84: {  	_ =	shalt  }
0x85: {  	_ =	shalt  }
0x86: {  	_ =	shalt  }
0x87: {  	_ =	shalt  }
.Lfunc_end0:
.L_simem_size_0:
called_computation_lowered:
.L_overlay_start_0:
0x88: {  	s0 =	sld [smem:$0x3FD9]  }
0x89: {  	s1 =	sld [smem:$0x3FFE];
	_ =	sdelay $0x1  }
0x8a: {  	s2 =	srdreg.scid  }
0x8b: {  	s3 =	sand.u32 $0x1, s2  }
0x8c: {  	s25 =	sshll.u32 s3, $0xA;
	s0 =	sadd.s32 s1, s0  }
0x8d: {  	s0 =	sadd.s32 s0, s25  }
0x8e: {  	s4 =	simm.s32 $0x0;
	[smem:$0x3FC5] =	sst s0  }
0x8f: {  	[smem:$0xF] =	sst s4  }
0x90: {  	s0 =	sld [smem:$0x3FC7]  }
0x91: {  	s1 =	sld [smem:$0x3FD0];
	(tm) =	ssettm $0x1  }
0x92: {  	s26 =	sld [smem:$0x3FFB];
	_ =	sdelay $0x3  }
0x93: {  	_ =	strace s26  }
0x94: {  	s4 =	sld [smem:$0x3FFC];
	_ =	sdelay $0x3  }
0x95: {  	_ =	strace s4  }
0x96: {  	s4 =	sld [smem:$0x3FFD];
	_ =	sdelay $0x3  }
0x97: {  	_ =	strace s4  }
0x98: {  	s28 =	simm.s32 $0x1B8B;
	_ =	strace $0x8FFFFFFF  }
0x99: {  	_ =	swait.ge [sflag:s28], $0x1  }
0x9a: {  	[sflag:s28] =	ssyncset.done $0x0  }
0x9b: {  	s5 =	simm.s32 $0x1B8E;
	p0 =	seq.s32 s3, $0x1;
	[sflag:s28] =	ssyncadd.s32 $0xFFFFFFFF  }
0x9c: {  	s6 =	simm.s32 @!p0 $0x10;
	[smem:$0x3FD2] =	sst s5  }
0x9d: {  	s29 =	sld [smem:$0x3FFE];
	s5 =	simm.s32 @!p0 $0xA;
	_ =	strace $0x80000046  }
0x9e: {  	[smem:s6], [sflag:s5] =	dma.local @!p0 [hbm:s1], $0x10  }
0x9f: {  	_ =	swait.ge @!p0 [sflag:s5], $0x10  }
0xa0: {  	[sflag:s5] =	ssyncset.done @!p0 $0x0  }
0xa1: {  	[sflag:s5] =	ssyncadd.s32 @!p0 $0xFFFFFFF0  }
0xa2: {  	s1 =	sld @!p0 [smem:$0x10];
	_ =	sdelay $0x3  }
0xa3: {  	s1 =	sshll.u32 @!p0 s1, $0x4  }
0xa4: {  	s1 =	sand.u32 @!p0 $0x1FFFFFF0, s1  }
0xa5: {  	s4 =	sadd.s32 $0x600, s29;
	s0 =	sadd.s32 @!p0 s0, s1;
	s1 =	simm.s32 @!p0 $0x9  }
0xa6: {  	[hbm:s4], [sflag:s1] =	dma.local @!p0 [hbm:s0], $0x10  }
0xa7: {  	_ =	swait.ge @!p0 [sflag:s1], $0x10  }
0xa8: {  	[sflag:s1] =	ssyncset.done @!p0 $0x0  }
0xa9: {  	[sflag:s1] =	ssyncadd.s32 @!p0 $0xFFFFFFF0  }
0xaa: {  	_ =	strace $0x90000046  }
0xab: {  	_ =	sfence  }
0xac: {  	s30 =	sld [smem:$0x0];
	_ =	sdelay $0x2  }
0xad: {  	s31 =	sshll.u32 s2, $0xD;
	s2 =	sshrl.u32 s2, $0x2  }
0xae: {  	s1 =	sand.u32 $0x4000, s31;
	s0 =	sadd.s32 s2, s30  }
0xaf: {  	s1 =	sor.u32 s1, s3;
	s0 =	sshll.u32 s0, $0x11  }
0xb0: {  	s0 =	sor.u32 s0, s1  }
0xb1: {  	s0 =	sadd.s32 $0x8F2B, s0;
	(pc) =	sbr.abs _section_cstart, $3  }
0xb2: {  	[sflag:s0] =	ssyncadd.remote.s32 $0x1  }
0xb3: {  	_ =	strace $0x9FFFFFFF  }
0xb4: {  	(tm) =	ssettm $0x7FFFFFFF  }
0xb5: {  	_ =	shalt  }

</sc_bundles>
